<compile_context>
chip_gen: v7x
topology: tpu7x:2x2x1
jax: 0.10.2.dev20260603
libtpu: 0.0.44.dev20260713+nightly
codegen_flags: <defaults>
</compile_context>

<pallas_src>
import jax
import jax.numpy as jnp
from jax import lax
from jax.experimental import pallas as pl
from jax.experimental.pallas import tpu as pltpu
from jax.experimental.pallas import tpu_sc as plsc

_ROWS, _COLS = 64, 32768
_NC, _NS, _L = 2, 16, 16
_NW = _NC * _NS
_SC_ROWS = 16
_TC_ROWS = _ROWS - _SC_ROWS
_WCOLS = _COLS // 2
_UNROLL = 4
_MESH = plsc.VectorSubcoreMesh(core_axis_name="c", subcore_axis_name="s")


def _sc_scan(x_hbm, part_hbm, buf, mvec_ref, svec_ref):
    wid = lax.axis_index("c") * _NS + lax.axis_index("s")
    row = lax.shift_right_logical(wid, 1)
    col0 = lax.mul(lax.rem(wid, 2), _WCOLS)
    pltpu.sync_copy(x_hbm.at[row, pl.ds(col0, _WCOLS)], buf)

    neg = jnp.full((_L,), -jnp.inf, jnp.float32)
    carry0 = (neg,) * (2 * _UNROLL)

    def body(i, carry):
        ms, ss = list(carry[:_UNROLL]), list(carry[_UNROLL:])
        base = i * (_UNROLL * _L)
        for j in range(_UNROLL):
            v = buf[pl.ds(base + j * _L, _L)]
            ss[j] = jnp.maximum(ss[j], jnp.minimum(ms[j], v))
            ms[j] = jnp.maximum(ms[j], v)
        return tuple(ms) + tuple(ss)

    carry = lax.fori_loop(0, _WCOLS // (_UNROLL * _L), body, carry0)
    ms, ss = list(carry[:_UNROLL]), list(carry[_UNROLL:])
    n = _UNROLL
    while n > 1:
        half = n // 2
        for j in range(half):
            m_a, s_a = ms[j], ss[j]
            m_b, s_b = ms[j + half], ss[j + half]
            ss[j] = jnp.maximum(jnp.minimum(m_a, m_b), jnp.maximum(s_a, s_b))
            ms[j] = jnp.maximum(m_a, m_b)
        n = half
    mvec_ref[...] = ms[0]
    svec_ref[...] = ss[0]
    pltpu.sync_copy(mvec_ref, part_hbm.at[wid])
    pltpu.sync_copy(svec_ref, part_hbm.at[_NW + wid])


_sc_partials = pl.kernel(
    _sc_scan,
    out_type=jax.ShapeDtypeStruct((2 * _NW, _L), jnp.float32),
    mesh=_MESH,
    scratch_types=[
        pltpu.VMEM((_WCOLS,), jnp.float32),
        pltpu.VMEM((_L,), jnp.float32),
        pltpu.VMEM((_L,), jnp.float32),
    ],
)

_TC_BLOCK = 16


def _tc_scan_kernel(x_ref, max_ref, cnt_ref, m_ref, c_ref):
    i = pl.program_id(0)
    blk = x_ref[...]
    bm = jnp.max(blk)
    bc = jnp.sum((blk == bm).astype(jnp.int32))

    @pl.when(i == 0)
    def _init():
        m_ref[0] = bm
        c_ref[0] = bc

    @pl.when(i > 0)
    def _acc():
        m = m_ref[0]
        c = c_ref[0]
        m_ref[0] = jnp.maximum(m, bm)
        c_ref[0] = jnp.where(bm > m, bc, jnp.where(bm == m, c + bc, c))

    @pl.when(i == pl.num_programs(0) - 1)
    def _emit():
        max_ref[0, 0] = m_ref[0]
        cnt_ref[0, 0] = c_ref[0]


def _tc_scan(x):
    return pl.pallas_call(
        _tc_scan_kernel,
        grid=(_TC_ROWS // _TC_BLOCK,),
        in_specs=[
            pl.BlockSpec(
                (_TC_BLOCK, _COLS), lambda i: (i + _SC_ROWS // _TC_BLOCK, 0)
            ),
        ],
        out_specs=(
            pl.BlockSpec(memory_space=pltpu.SMEM),
            pl.BlockSpec(memory_space=pltpu.SMEM),
        ),
        out_shape=(
            jax.ShapeDtypeStruct((1, 1), jnp.float32),
            jax.ShapeDtypeStruct((1, 1), jnp.int32),
        ),
        scratch_shapes=[
            pltpu.SMEM((1,), jnp.float32),
            pltpu.SMEM((1,), jnp.int32),
        ],
    )(x)


def _combine_kernel(parts_ref, tmax_ref, tcnt_ref, out_ref):
    parts = parts_ref[...]
    tmax = tmax_ref[0, 0]
    m = jnp.maximum(jnp.max(parts), tmax)
    total = jnp.sum((parts == m).astype(jnp.int32)) + jnp.where(
        tmax == m, tcnt_ref[0, 0], 0
    )
    out_ref[0, 0] = (total > 1).astype(jnp.int32)


def kernel(x):
    parts = _sc_partials(x)
    tmax, tcnt = _tc_scan(x)
    out = pl.pallas_call(
        _combine_kernel,
        in_specs=[
            pl.BlockSpec(),
            pl.BlockSpec(memory_space=pltpu.SMEM),
            pl.BlockSpec(memory_space=pltpu.SMEM),
        ],
        out_specs=pl.BlockSpec(memory_space=pltpu.SMEM),
        out_shape=jax.ShapeDtypeStruct((1, 1), jnp.int32),
    )(parts, tmax, tcnt)
    return out.reshape(()).astype(jnp.bool_)

# --- scband reference (transcript-rebuilt; emitter-appended) ---
"""Pipeline reference for scband-my-model-61933428410370 (READ-ONLY COPY).

The authoritative reference and input builder live on the scoring server;
editing this copy changes nothing except your own understanding.
"""

import jax, jax.numpy as jnp
import numpy as np


def stable_topk(x_flat, k):
    n = x_flat.shape[0]
    reversed_x = x_flat[::-1]
    reversed_indices = jnp.arange(n - 1, -1, -1)
    # torch.sort(descending=True, stable=True): stable descending sort.
    # argsort(-x) with stable=True gives descending order of x with ties
    # broken by original (smaller) index first, matching torch's stable sort.
    sorted_indices_reversed = jnp.argsort(-reversed_x, stable=True)
    sorted_vals = reversed_x[sorted_indices_reversed]
    top_k_reversed_indices = sorted_indices_reversed[:k]
    original_indices = reversed_indices[top_k_reversed_indices]
    return sorted_vals[:k], original_indices


def setup_inputs(seed: int = 0) -> dict:
    key = jax.random.key(seed)
    x = jax.random.normal(key, (64, 32768), dtype=jnp.float32)
    return {"x": x}


def reference(x):
    x_flat = x.reshape(-1)
    k = 1
    val_std, idx_std = jax.lax.top_k(x_flat, k)
    val_stb, idx_stb = stable_topk(x_flat, k)
    return jnp.any(idx_std.astype(jnp.int64) != idx_stb.astype(jnp.int64))

if __name__ == "__main__":
    import jax
    _d = setup_inputs()
    print(jax.jit(kernel)(*tuple(_d.values())))

</pallas_src>

<mosaic_0001>
#map = affine_map<(d0, d1) -> (0, 0)>
module attributes {stable_mosaic.version = 14 : i64} {
  func.func @_sc_scan(%arg0: i32, %arg1: i32, %arg2: memref<64x32768xf32, #tpu.memory_space<hbm>>, %arg3: memref<64x16xf32, #tpu.memory_space<hbm>>, %arg4: memref<16384xf32, #tpu.memory_space<vmem>>, %arg5: memref<16xf32, #tpu.memory_space<vmem>>, %arg6: memref<16xf32, #tpu.memory_space<vmem>>) attributes {dimension_semantics = [#tpu.dimension_semantics<core_parallel>, #tpu.dimension_semantics<subcore_parallel>], iteration_bounds = array<i64: 2, 16>, scalar_prefetch = 0 : i64, scratch_operands = 3 : i64, tpu.core_type = #tpu.core_type<sc_vector_subcore>, window_params = [{transform_indices = #map}, {transform_indices = #map}]} {
    %mul3A = arith.constant 16 : i32
    %mul3A_0 = arith.muli %arg0, %mul3A : i32
    %add3A = arith.addi %mul3A_0, %arg1 : i32
    %shift_right_logical3A = arith.constant 1 : i32
    %shift_right_logical3A_1 = arith.shrui %add3A, %shift_right_logical3A : i32
    %rem3A = arith.constant 2 : i32
    %rem3A_2 = arith.remsi %add3A, %rem3A : i32
    %mul3A_3 = arith.constant 16384 : i32
    %mul3A_4 = arith.muli %rem3A_2, %mul3A_3 : i32
    "tpu.region"() ({
      %run_scoped3A = tpu.sem_alloc : memref<!tpu.dma_semaphore, #tpu.memory_space<semaphore_mem>>
      %dma_start3A = tpu.memref_slice %arg2[%shift_right_logical3A_1, %mul3A_4] : memref<64x32768xf32, #tpu.memory_space<hbm>> -> memref<1x16384xf32, #tpu.memory_space<hbm>>
      %dma_start3A_30 = tpu.memref_squeeze %dma_start3A : memref<1x16384xf32, #tpu.memory_space<hbm>> -> memref<16384xf32, #tpu.memory_space<hbm>>
      %dma_start3A_31 = tpu.memref_slice %arg2[%shift_right_logical3A_1, %mul3A_4] : memref<64x32768xf32, #tpu.memory_space<hbm>> -> memref<1x16384xf32, #tpu.memory_space<hbm>>
      %dma_start3A_32 = tpu.memref_squeeze %dma_start3A_31 : memref<1x16384xf32, #tpu.memory_space<hbm>> -> memref<16384xf32, #tpu.memory_space<hbm>>
      tpu.enqueue_dma source(%dma_start3A_32 : memref<16384xf32, #tpu.memory_space<hbm>>) target(%arg4 : memref<16384xf32, #tpu.memory_space<vmem>>) target_semaphore(%run_scoped3A : memref<!tpu.dma_semaphore, #tpu.memory_space<semaphore_mem>>)
      %dma_wait3A = tpu.memref_slice %arg2[%shift_right_logical3A_1, %mul3A_4] : memref<64x32768xf32, #tpu.memory_space<hbm>> -> memref<1x16384xf32, #tpu.memory_space<hbm>>
      %dma_wait3A_33 = tpu.memref_squeeze %dma_wait3A : memref<1x16384xf32, #tpu.memory_space<hbm>> -> memref<16384xf32, #tpu.memory_space<hbm>>
      %dma_wait3A_34 = tpu.memref_slice %arg2[%shift_right_logical3A_1, %mul3A_4] : memref<64x32768xf32, #tpu.memory_space<hbm>> -> memref<1x16384xf32, #tpu.memory_space<hbm>>
      %dma_wait3A_35 = tpu.memref_squeeze %dma_wait3A_34 : memref<1x16384xf32, #tpu.memory_space<hbm>> -> memref<16384xf32, #tpu.memory_space<hbm>>
      tpu.wait_dma2 semaphore(%run_scoped3A : memref<!tpu.dma_semaphore, #tpu.memory_space<semaphore_mem>>) src(%dma_wait3A_35 : memref<16384xf32, #tpu.memory_space<hbm>>) dst(%arg4 : memref<16384xf32, #tpu.memory_space<vmem>>)
      tpu.yield
    }) : () -> ()
    %broadcast_in_dim3A = arith.constant 0xFF800000 : f32
    %broadcast_in_dim3A_5 = vector.broadcast %broadcast_in_dim3A : f32 to vector<16xf32>
    %scan3A = arith.constant 0 : i32
    %scan3A_6 = arith.constant 256 : i32
    %scan3A_7 = arith.addi %scan3A, %scan3A_6 : i32
    %scan3A_8 = arith.constant 1 : i32
    %scan3A_9:8 = scf.for %scan3A_30 = %scan3A to %scan3A_7 step %scan3A_8 iter_args(%scan3A_31 = %broadcast_in_dim3A_5, %scan3A_32 = %broadcast_in_dim3A_5, %scan3A_33 = %broadcast_in_dim3A_5, %scan3A_34 = %broadcast_in_dim3A_5, %scan3A_35 = %broadcast_in_dim3A_5, %scan3A_36 = %broadcast_in_dim3A_5, %scan3A_37 = %broadcast_in_dim3A_5, %scan3A_38 = %broadcast_in_dim3A_5) -> (vector<16xf32>, vector<16xf32>, vector<16xf32>, vector<16xf32>, vector<16xf32>, vector<16xf32>, vector<16xf32>, vector<16xf32>)  : i32 {
      %mul3A_39 = arith.constant 64 : i32
      %mul3A_40 = arith.muli %scan3A_30, %mul3A_39 : i32
      %add3A_41 = arith.constant 0 : i32
      %add3A_42 = arith.addi %mul3A_40, %add3A_41 : i32
      %get3A = arith.index_cast %add3A_42 : i32 to index
      %get3A_43 = tpu.vector_load %arg4[%get3A] {strides = array<i32>} : memref<16384xf32, #tpu.memory_space<vmem>>, vector<16xf32>,
      %get3A_44 = vector.shape_cast %get3A_43 : vector<16xf32> to vector<16xf32>
      %min3A_45 = arith.minimumf %scan3A_31, %get3A_44 : vector<16xf32>
      %max3A_46 = arith.maximumf %scan3A_35, %min3A_45 : vector<16xf32>
      %max3A_47 = arith.maximumf %scan3A_31, %get3A_44 : vector<16xf32>
      %add3A_48 = arith.constant 16 : i32
      %add3A_49 = arith.addi %mul3A_40, %add3A_48 : i32
      %get3A_50 = arith.index_cast %add3A_49 : i32 to index
      %get3A_51 = tpu.vector_load %arg4[%get3A_50] {strides = array<i32>} : memref<16384xf32, #tpu.memory_space<vmem>>, vector<16xf32>,
      %get3A_52 = vector.shape_cast %get3A_51 : vector<16xf32> to vector<16xf32>
      %min3A_53 = arith.minimumf %scan3A_32, %get3A_52 : vector<16xf32>
      %max3A_54 = arith.maximumf %scan3A_36, %min3A_53 : vector<16xf32>
      %max3A_55 = arith.maximumf %scan3A_32, %get3A_52 : vector<16xf32>
      %add3A_56 = arith.constant 32 : i32
      %add3A_57 = arith.addi %mul3A_40, %add3A_56 : i32
      %get3A_58 = arith.index_cast %add3A_57 : i32 to index
      %get3A_59 = tpu.vector_load %arg4[%get3A_58] {strides = array<i32>} : memref<16384xf32, #tpu.memory_space<vmem>>, vector<16xf32>,
      %get3A_60 = vector.shape_cast %get3A_59 : vector<16xf32> to vector<16xf32>
      %min3A_61 = arith.minimumf %scan3A_33, %get3A_60 : vector<16xf32>
      %max3A_62 = arith.maximumf %scan3A_37, %min3A_61 : vector<16xf32>
      %max3A_63 = arith.maximumf %scan3A_33, %get3A_60 : vector<16xf32>
      %add3A_64 = arith.constant 48 : i32
      %add3A_65 = arith.addi %mul3A_40, %add3A_64 : i32
      %get3A_66 = arith.index_cast %add3A_65 : i32 to index
      %get3A_67 = tpu.vector_load %arg4[%get3A_66] {strides = array<i32>} : memref<16384xf32, #tpu.memory_space<vmem>>, vector<16xf32>,
      %get3A_68 = vector.shape_cast %get3A_67 : vector<16xf32> to vector<16xf32>
      %min3A_69 = arith.minimumf %scan3A_34, %get3A_68 : vector<16xf32>
      %max3A_70 = arith.maximumf %scan3A_38, %min3A_69 : vector<16xf32>
      %max3A_71 = arith.maximumf %scan3A_34, %get3A_68 : vector<16xf32>
      scf.yield %max3A_47, %max3A_55, %max3A_63, %max3A_71, %max3A_46, %max3A_54, %max3A_62, %max3A_70 : vector<16xf32>, vector<16xf32>, vector<16xf32>, vector<16xf32>, vector<16xf32>, vector<16xf32>, vector<16xf32>, vector<16xf32>
    }
    %scan3A_10 = arith.constant 256 : i32
    %min3A = arith.minimumf %scan3A_9#0, %scan3A_9#2 : vector<16xf32>
    %max3A = arith.maximumf %scan3A_9#4, %scan3A_9#6 : vector<16xf32>
    %max3A_11 = arith.maximumf %min3A, %max3A : vector<16xf32>
    %max3A_12 = arith.maximumf %scan3A_9#0, %scan3A_9#2 : vector<16xf32>
    %min3A_13 = arith.minimumf %scan3A_9#1, %scan3A_9#3 : vector<16xf32>
    %max3A_14 = arith.maximumf %scan3A_9#5, %scan3A_9#7 : vector<16xf32>
    %max3A_15 = arith.maximumf %min3A_13, %max3A_14 : vector<16xf32>
    %max3A_16 = arith.maximumf %scan3A_9#1, %scan3A_9#3 : vector<16xf32>
    %min3A_17 = arith.minimumf %max3A_12, %max3A_16 : vector<16xf32>
    %max3A_18 = arith.maximumf %max3A_11, %max3A_15 : vector<16xf32>
    %max3A_19 = arith.maximumf %min3A_17, %max3A_18 : vector<16xf32>
    %max3A_20 = arith.maximumf %max3A_12, %max3A_16 : vector<16xf32>
    %swap3A = arith.constant 0 : index
    %swap3A_21 = tpu.vector_load %arg5[%swap3A] {strides = array<i32>} : memref<16xf32, #tpu.memory_space<vmem>>, vector<16xf32>,
    %swap3A_22 = vector.shape_cast %swap3A_21 : vector<16xf32> to vector<16xf32>
    %swap3A_23 = vector.shape_cast %max3A_20 : vector<16xf32> to vector<16xf32>
    tpu.vector_store %arg5[%swap3A], %swap3A_23 {strides = array<i32>} : memref<16xf32, #tpu.memory_space<vmem>>, vector<16xf32>,
    %swap3A_24 = arith.constant 0 : index
    %swap3A_25 = tpu.vector_load %arg6[%swap3A_24] {strides = array<i32>} : memref<16xf32, #tpu.memory_space<vmem>>, vector<16xf32>,
    %swap3A_26 = vector.shape_cast %swap3A_25 : vector<16xf32> to vector<16xf32>
    %swap3A_27 = vector.shape_cast %max3A_19 : vector<16xf32> to vector<16xf32>
    tpu.vector_store %arg6[%swap3A_24], %swap3A_27 {strides = array<i32>} : memref<16xf32, #tpu.memory_space<vmem>>, vector<16xf32>,
    "tpu.region"() ({
      %run_scoped3A = tpu.sem_alloc : memref<!tpu.dma_semaphore, #tpu.memory_space<semaphore_mem>>
      %dma_start3A = arith.constant 0 : i32
      %dma_start3A_30 = tpu.memref_slice %arg3[%add3A, %dma_start3A] : memref<64x16xf32, #tpu.memory_space<hbm>> -> memref<1x16xf32, #tpu.memory_space<hbm>>
      %dma_start3A_31 = tpu.memref_squeeze %dma_start3A_30 : memref<1x16xf32, #tpu.memory_space<hbm>> -> memref<16xf32, #tpu.memory_space<hbm>>
      %dma_start3A_32 = arith.constant 0 : i32
      %dma_start3A_33 = tpu.memref_slice %arg3[%add3A, %dma_start3A_32] : memref<64x16xf32, #tpu.memory_space<hbm>> -> memref<1x16xf32, #tpu.memory_space<hbm>>
      %dma_start3A_34 = tpu.memref_squeeze %dma_start3A_33 : memref<1x16xf32, #tpu.memory_space<hbm>> -> memref<16xf32, #tpu.memory_space<hbm>>
      tpu.enqueue_dma source(%arg5 : memref<16xf32, #tpu.memory_space<vmem>>) target(%dma_start3A_34 : memref<16xf32, #tpu.memory_space<hbm>>) target_semaphore(%run_scoped3A : memref<!tpu.dma_semaphore, #tpu.memory_space<semaphore_mem>>)
      %dma_wait3A = arith.constant 0 : i32
      %dma_wait3A_35 = tpu.memref_slice %arg3[%add3A, %dma_wait3A] : memref<64x16xf32, #tpu.memory_space<hbm>> -> memref<1x16xf32, #tpu.memory_space<hbm>>
      %dma_wait3A_36 = tpu.memref_squeeze %dma_wait3A_35 : memref<1x16xf32, #tpu.memory_space<hbm>> -> memref<16xf32, #tpu.memory_space<hbm>>
      %dma_wait3A_37 = arith.constant 0 : i32
      %dma_wait3A_38 = tpu.memref_slice %arg3[%add3A, %dma_wait3A_37] : memref<64x16xf32, #tpu.memory_space<hbm>> -> memref<1x16xf32, #tpu.memory_space<hbm>>
      %dma_wait3A_39 = tpu.memref_squeeze %dma_wait3A_38 : memref<1x16xf32, #tpu.memory_space<hbm>> -> memref<16xf32, #tpu.memory_space<hbm>>
      tpu.wait_dma2 semaphore(%run_scoped3A : memref<!tpu.dma_semaphore, #tpu.memory_space<semaphore_mem>>) src(%arg5 : memref<16xf32, #tpu.memory_space<vmem>>) dst(%dma_wait3A_39 : memref<16xf32, #tpu.memory_space<hbm>>)
      tpu.yield
    }) : () -> ()
    %add3A_28 = arith.constant 32 : i32
    %add3A_29 = arith.addi %add3A_28, %add3A : i32
    "tpu.region"() ({
      %run_scoped3A = tpu.sem_alloc : memref<!tpu.dma_semaphore, #tpu.memory_space<semaphore_mem>>
      %dma_start3A = arith.constant 0 : i32
      %dma_start3A_30 = tpu.memref_slice %arg3[%add3A_29, %dma_start3A] : memref<64x16xf32, #tpu.memory_space<hbm>> -> memref<1x16xf32, #tpu.memory_space<hbm>>
      %dma_start3A_31 = tpu.memref_squeeze %dma_start3A_30 : memref<1x16xf32, #tpu.memory_space<hbm>> -> memref<16xf32, #tpu.memory_space<hbm>>
      %dma_start3A_32 = arith.constant 0 : i32
      %dma_start3A_33 = tpu.memref_slice %arg3[%add3A_29, %dma_start3A_32] : memref<64x16xf32, #tpu.memory_space<hbm>> -> memref<1x16xf32, #tpu.memory_space<hbm>>
      %dma_start3A_34 = tpu.memref_squeeze %dma_start3A_33 : memref<1x16xf32, #tpu.memory_space<hbm>> -> memref<16xf32, #tpu.memory_space<hbm>>
      tpu.enqueue_dma source(%arg6 : memref<16xf32, #tpu.memory_space<vmem>>) target(%dma_start3A_34 : memref<16xf32, #tpu.memory_space<hbm>>) target_semaphore(%run_scoped3A : memref<!tpu.dma_semaphore, #tpu.memory_space<semaphore_mem>>)
      %dma_wait3A = arith.constant 0 : i32
      %dma_wait3A_35 = tpu.memref_slice %arg3[%add3A_29, %dma_wait3A] : memref<64x16xf32, #tpu.memory_space<hbm>> -> memref<1x16xf32, #tpu.memory_space<hbm>>
      %dma_wait3A_36 = tpu.memref_squeeze %dma_wait3A_35 : memref<1x16xf32, #tpu.memory_space<hbm>> -> memref<16xf32, #tpu.memory_space<hbm>>
      %dma_wait3A_37 = arith.constant 0 : i32
      %dma_wait3A_38 = tpu.memref_slice %arg3[%add3A_29, %dma_wait3A_37] : memref<64x16xf32, #tpu.memory_space<hbm>> -> memref<1x16xf32, #tpu.memory_space<hbm>>
      %dma_wait3A_39 = tpu.memref_squeeze %dma_wait3A_38 : memref<1x16xf32, #tpu.memory_space<hbm>> -> memref<16xf32, #tpu.memory_space<hbm>>
      tpu.wait_dma2 semaphore(%run_scoped3A : memref<!tpu.dma_semaphore, #tpu.memory_space<semaphore_mem>>) src(%arg6 : memref<16xf32, #tpu.memory_space<vmem>>) dst(%dma_wait3A_39 : memref<16xf32, #tpu.memory_space<hbm>>)
      tpu.yield
    }) : () -> ()
    return
  }
}

module attributes {stable_mosaic.version = 14 : i64} {
  func.func @_tc_scan_kernel(%arg0: i32, %arg1: memref<16x32768xf32, #tpu.memory_space<vmem>>, %arg2: memref<1x1xf32, #tpu.memory_space<smem>>, %arg3: memref<1x1xi32, #tpu.memory_space<smem>>, %arg4: memref<1xf32, #tpu.memory_space<smem>>, %arg5: memref<1xi32, #tpu.memory_space<smem>>) attributes {dimension_semantics = [#tpu.dimension_semantics<arbitrary>], iteration_bounds = array<i64: 3>, scalar_prefetch = 0 : i64, scratch_operands = 2 : i64, tpu.core_type = #tpu.core_type<tc>, window_params = [{transform_indices = @transform_0, window_bounds = array<i64: 16, 32768>}, {transform_indices = @transform_1, window_bounds = array<i64: 1, 1>}, {transform_indices = @transform_2, window_bounds = array<i64: 1, 1>}]} {
    %get3A = arith.constant 0 : index
    %get3A_0 = arith.constant 0 : index
    %get3A_1 = vector.load %arg1[%get3A, %get3A_0] : memref<16x32768xf32, #tpu.memory_space<vmem>>, vector<16x32768xf32>
    %reduce_max3A = vector.shape_cast %get3A_1 : vector<16x32768xf32> to vector<1x16x32768xf32>
    %reduce_max3A_2 = arith.constant dense<0xFF800000> : vector<1xf32>
    %reduce_max3A_3 = vector.multi_reduction <maximumf>, %reduce_max3A, %reduce_max3A_2 [1, 2] : vector<1x16x32768xf32> to vector<1xf32>
    %reduce_max3A_4 = vector.shape_cast %reduce_max3A_3 : vector<1xf32> to vector<1x1x1xf32>
    %reduce_max3A_5 = vector.extract %reduce_max3A_4[0, 0, 0] : f32 from vector<1x1x1xf32>
    %eq3A = vector.broadcast %reduce_max3A_5 : f32 to vector<16x32768xf32>
    %eq3A_6 = arith.cmpf oeq, %get3A_1, %eq3A : vector<16x32768xf32>
    %convert_element_type3A = arith.extui %eq3A_6 : vector<16x32768xi1> to vector<16x32768xi32>
    %reduce_sum3A = vector.shape_cast %convert_element_type3A : vector<16x32768xi32> to vector<1x16x32768xi32>
    %reduce_sum3A_7 = arith.constant dense<0> : vector<1xi32>
    %reduce_sum3A_8 = vector.multi_reduction <add>, %reduce_sum3A, %reduce_sum3A_7 [1, 2] : vector<1x16x32768xi32> to vector<1xi32>
    %reduce_sum3A_9 = vector.shape_cast %reduce_sum3A_8 : vector<1xi32> to vector<1x1x1xi32>
    %reduce_sum3A_10 = vector.extract %reduce_sum3A_9[0, 0, 0] : i32 from vector<1x1x1xi32>
    %eq3A_11 = arith.constant 0 : i32
    %eq3A_12 = arith.cmpi eq, %arg0, %eq3A_11 : i32
    %convert_element_type3A_13 = arith.extui %eq3A_12 : i1 to i32
    %cond3A = arith.constant 0 : i32
    %cond3A_14 = arith.cmpi ne, %convert_element_type3A_13, %cond3A : i32
    scf.if %cond3A_14 {
      %swap3A = arith.constant 0 : index
      %swap3A_24 = memref.load %arg4[%swap3A] : memref<1xf32, #tpu.memory_space<smem>>
      memref.store %reduce_max3A_5, %arg4[%swap3A] : memref<1xf32, #tpu.memory_space<smem>>
      %swap3A_25 = arith.constant 0 : index
      %swap3A_26 = memref.load %arg5[%swap3A_25] : memref<1xi32, #tpu.memory_space<smem>>
      memref.store %reduce_sum3A_10, %arg5[%swap3A_25] : memref<1xi32, #tpu.memory_space<smem>>
    } else {
    }
    %gt3A = arith.constant 0 : i32
    %gt3A_15 = arith.cmpi sgt, %arg0, %gt3A : i32
    %convert_element_type3A_16 = arith.extui %gt3A_15 : i1 to i32
    %cond3A_17 = arith.constant 0 : i32
    %cond3A_18 = arith.cmpi ne, %convert_element_type3A_16, %cond3A_17 : i32
    scf.if %cond3A_18 {
      %get3A_24 = arith.constant 0 : index
      %get3A_25 = memref.load %arg4[%get3A_24] : memref<1xf32, #tpu.memory_space<smem>>
      %get3A_26 = arith.constant 0 : index
      %get3A_27 = memref.load %arg5[%get3A_26] : memref<1xi32, #tpu.memory_space<smem>>
      %max3A = arith.maximumf %get3A_25, %reduce_max3A_5 : f32
      %swap3A = arith.constant 0 : index
      %swap3A_28 = memref.load %arg4[%swap3A] : memref<1xf32, #tpu.memory_space<smem>>
      memref.store %max3A, %arg4[%swap3A] : memref<1xf32, #tpu.memory_space<smem>>
      %gt3A_29 = arith.cmpf ogt, %reduce_max3A_5, %get3A_25 : f32
      %eq3A_30 = arith.cmpf oeq, %reduce_max3A_5, %get3A_25 : f32
      %add3A = arith.addi %get3A_27, %reduce_sum3A_10 : i32
      %select_n3A = arith.select %eq3A_30, %add3A, %get3A_27 : i32
      %select_n3A_31 = arith.select %gt3A_29, %reduce_sum3A_10, %select_n3A : i32
      %swap3A_32 = arith.constant 0 : index
      %swap3A_33 = memref.load %arg5[%swap3A_32] : memref<1xi32, #tpu.memory_space<smem>>
      memref.store %select_n3A_31, %arg5[%swap3A_32] : memref<1xi32, #tpu.memory_space<smem>>
    } else {
    }
    %eq3A_19 = arith.constant 2 : i32
    %eq3A_20 = arith.cmpi eq, %arg0, %eq3A_19 : i32
    %convert_element_type3A_21 = arith.extui %eq3A_20 : i1 to i32
    %cond3A_22 = arith.constant 0 : i32
    %cond3A_23 = arith.cmpi ne, %convert_element_type3A_21, %cond3A_22 : i32
    scf.if %cond3A_23 {
      %get3A_24 = arith.constant 0 : index
      %get3A_25 = memref.load %arg4[%get3A_24] : memref<1xf32, #tpu.memory_space<smem>>
      %swap3A = arith.constant 0 : index
      %swap3A_26 = arith.constant 0 : index
      %swap3A_27 = memref.load %arg2[%swap3A, %swap3A_26] : memref<1x1xf32, #tpu.memory_space<smem>>
      memref.store %get3A_25, %arg2[%swap3A, %swap3A_26] : memref<1x1xf32, #tpu.memory_space<smem>>
      %get3A_28 = arith.constant 0 : index
      %get3A_29 = memref.load %arg5[%get3A_28] : memref<1xi32, #tpu.memory_space<smem>>
      %swap3A_30 = arith.constant 0 : index
      %swap3A_31 = arith.constant 0 : index
      %swap3A_32 = memref.load %arg3[%swap3A_30, %swap3A_31] : memref<1x1xi32, #tpu.memory_space<smem>>
      memref.store %get3A_29, %arg3[%swap3A_30, %swap3A_31] : memref<1x1xi32, #tpu.memory_space<smem>>
    } else {
    }
    return
  }
  func.func @transform_0(%arg0: i32) -> (i32, i32) {
    %add3A = arith.constant 1 : i32
    %add3A_0 = arith.addi %arg0, %add3A : i32
    %c0_i32 = arith.constant 0 : i32
    %c0_i32_1 = arith.constant 0 : i32
    return %add3A_0, %c0_i32 : i32, i32
  }
  func.func @transform_1(%arg0: i32) -> (i32, i32) {
    %c0_i32 = arith.constant 0 : i32
    %c0_i32_0 = arith.constant 0 : i32
    %c0_i32_1 = arith.constant 0 : i32
    return %c0_i32, %c0_i32_0 : i32, i32
  }
  func.func @transform_2(%arg0: i32) -> (i32, i32) {
    %c0_i32 = arith.constant 0 : i32
    %c0_i32_0 = arith.constant 0 : i32
    %c0_i32_1 = arith.constant 0 : i32
    return %c0_i32, %c0_i32_0 : i32, i32
  }
}

module attributes {stable_mosaic.version = 14 : i64} {
  func.func @_combine_kernel(%arg0: memref<64x16xf32, #tpu.memory_space<vmem>>, %arg1: memref<1x1xf32, #tpu.memory_space<smem>>, %arg2: memref<1x1xi32, #tpu.memory_space<smem>>, %arg3: memref<1x1xi32, #tpu.memory_space<smem>>) attributes {dimension_semantics = [], scalar_prefetch = 0 : i64, scratch_operands = 0 : i64, tpu.core_type = #tpu.core_type<tc>} {
    %get3A = arith.constant 0 : index
    %get3A_0 = arith.constant 0 : index
    %get3A_1 = vector.load %arg0[%get3A, %get3A_0] : memref<64x16xf32, #tpu.memory_space<vmem>>, vector<64x16xf32>
    %get3A_2 = arith.constant 0 : index
    %get3A_3 = arith.constant 0 : index
    %get3A_4 = memref.load %arg1[%get3A_2, %get3A_3] : memref<1x1xf32, #tpu.memory_space<smem>>
    %reduce_max3A = vector.shape_cast %get3A_1 : vector<64x16xf32> to vector<1x64x16xf32>
    %reduce_max3A_5 = arith.constant dense<0xFF800000> : vector<1xf32>
    %reduce_max3A_6 = vector.multi_reduction <maximumf>, %reduce_max3A, %reduce_max3A_5 [1, 2] : vector<1x64x16xf32> to vector<1xf32>
    %reduce_max3A_7 = vector.shape_cast %reduce_max3A_6 : vector<1xf32> to vector<1x1x1xf32>
    %reduce_max3A_8 = vector.extract %reduce_max3A_7[0, 0, 0] : f32 from vector<1x1x1xf32>
    %max3A = arith.maximumf %reduce_max3A_8, %get3A_4 : f32
    %eq3A = vector.broadcast %max3A : f32 to vector<64x16xf32>
    %eq3A_9 = arith.cmpf oeq, %get3A_1, %eq3A : vector<64x16xf32>
    %convert_element_type3A = arith.extui %eq3A_9 : vector<64x16xi1> to vector<64x16xi32>
    %reduce_sum3A = vector.shape_cast %convert_element_type3A : vector<64x16xi32> to vector<1x64x16xi32>
    %reduce_sum3A_10 = arith.constant dense<0> : vector<1xi32>
    %reduce_sum3A_11 = vector.multi_reduction <add>, %reduce_sum3A, %reduce_sum3A_10 [1, 2] : vector<1x64x16xi32> to vector<1xi32>
    %reduce_sum3A_12 = vector.shape_cast %reduce_sum3A_11 : vector<1xi32> to vector<1x1x1xi32>
    %reduce_sum3A_13 = vector.extract %reduce_sum3A_12[0, 0, 0] : i32 from vector<1x1x1xi32>
    %eq3A_14 = arith.cmpf oeq, %get3A_4, %max3A : f32
    %get3A_15 = arith.constant 0 : index
    %get3A_16 = arith.constant 0 : index
    %get3A_17 = memref.load %arg2[%get3A_15, %get3A_16] : memref<1x1xi32, #tpu.memory_space<smem>>
    %jit3A = arith.constant 0 : i32
    %select_n3A = arith.select %eq3A_14, %get3A_17, %jit3A : i32
    %add3A = arith.addi %reduce_sum3A_13, %select_n3A : i32
    %gt3A = arith.constant 1 : i32
    %gt3A_18 = arith.cmpi sgt, %add3A, %gt3A : i32
    %convert_element_type3A_19 = arith.extui %gt3A_18 : i1 to i32
    %swap3A = arith.constant 0 : index
    %swap3A_20 = arith.constant 0 : index
    %swap3A_21 = memref.load %arg3[%swap3A, %swap3A_20] : memref<1x1xi32, #tpu.memory_space<smem>>
    memref.store %convert_element_type3A_19, %arg3[%swap3A, %swap3A_20] : memref<1x1xi32, #tpu.memory_space<smem>>
    return
  }
}

</mosaic_0001>

<sc_bundles>
// kernel: kernel.5.cloned.1.call-start
scs
__scs_entry_jumppad:
0x0: {  	(pc) =	sbr.rel $0x88, $3  }
0x1: {  	(tag) =	ssettag $0x0;
	lr =	simm.s32 $0x1  }
0x2: {  	[smem:$0x3FA0] =	sst lr;
	_ =	strace $0xD0000000  }
0x3: {  	_ = 	snop  }
0x4: {  	_ = 	snop  }
0x5: {  	_ = 	snop  }
0x6: {  	_ = 	snop  }
0x7: {  	_ = 	snop  }
__scs_overlays_trampoline_lowered:
0x8: {  	[smem:$0x3FAF] =	sst s0  }
0x9: {  	[smem:$0x3FB0] =	sst s1  }
0xa: {  	[smem:$0x3FB1] =	sst s2  }
0xb: {  	[smem:$0x3FB2] =	sst s3  }
0xc: {  	[smem:$0x3FB3] =	sst s4  }
0xd: {  	[smem:$0x3FB4] =	sst s5  }
0xe: {  	[smem:$0x3FB5] =	sst s6  }
0xf: {  	[smem:$0x3FB6] =	sst s7  }
0x10: {  	[smem:$0x3FB7] =	sst s8  }
0x11: {  	[smem:$0x3FB8] =	sst s9;
	s0 =	simm.s32 @!p0 $0x0  }
0x12: {  	s1 =	sld [smem:$0x3F9E];
	s0 =	simm.s32 @p0 $0x1  }
0x13: {  	[smem:$0x3FB9] =	sst s0;
	s0 =	simm.s32 @!p1 $0x0  }
0x14: {  	s2 =	sld [smem:$0x3F9D];
	s0 =	simm.s32 @p1 $0x1  }
0x15: {  	[smem:$0x3FBA] =	sst s0;
	s0 =	simm.s32 @!p2 $0x0  }
0x16: {  	s3 =	sld [smem:$0x3FDB];
	s0 =	simm.s32 @p2 $0x1  }
0x17: {  	s4 =	simm.s32 $0x1BF5;
	[smem:$0x3FBC] =	sst s0  }
0x18: {  	s0 =	sld [smem:$0x3F9F];
	_ =	swait.ge [sflag:s4], $0x0  }
0x19: {  	s7 =	sld [smem:$0x3FA0]  }
0x1a: {  	s8 =	sadd.s32 $0xFFFFE003, lr  }
0x1b: {  	s9 =	sadd.s32 $0xFFFFFEF7, lr;
	s5 =	simm.s32 $0xFFFFFFFF;
	p2 =	slt.u32 s8, $0xFFFFF086  }
0x1c: {  	p1 =	slt.u32 s9, $0xF7A;
	s5 =	simm.s32 @!p2 $0x0  }
0x1d: {  	s5 =	simm.s32 @p1 $0x1;
	p0 =	seq.s32 s7, s2  }
0x1e: {  	s7 =	smul.u32 @!p0 $0xF7A, s2;
	p2 =	seq.s32 @!p0 s5, $0x0  }
0x1f: {  	s9 =	smul.u32 $0xF7A, s1;
	s8 =	simm.s32 @!p0 $0x1BF5;
	p2 =	por !p2, p0  }
0x20: {  	[sflag:s8] =	ssyncset.s32 @!p0 $0xFFFFF086;
	s6 =	sadd.s32 @!p0 s3, s7;
	s7 =	simm.s32 @!p0 $0x108  }
0x21: {  	s3 =	sadd.s32 s3, s9;
	s6 =	sadd.s32 @!p0 $0x88, s6;
	s7 =	simm.s32 @p2 $0x1082  }
0x22: {  	[simem:s7], [sflag:s8] =	dma.local @!p0 [hbm:s6], $0xF7A  }
0x23: {  	s9 =	sor.u32 $0xD0000000, s2;
	s6 =	simm.s32 $0x108;
	_ =	swait.ge @!p0 [sflag:s8], $0x0  }
0x24: {  	s3 =	sadd.s32 $0x88, s3;
	s6 =	simm.s32 @!p1 $0x1082;
	[sflag:s4] =	ssyncset.s32 $0xFFFFF086  }
0x25: {  	[simem:s6], [sflag:s4] =	dma.local [hbm:s3], $0xF7A  }
0x26: {  	[smem:$0x3FA0] =	sst s1;
	(tag) =	ssettag s2;
	_ =	strace s9  }
0x27: {  	s1 =	sld [smem:$0x3FB0]  }
0x28: {  	s2 =	sld [smem:$0x3FB1]  }
0x29: {  	s4 =	sld [smem:$0x3FB3]  }
0x2a: {  	p0 =	seq.s32 s5, $0x0;
	s5 =	sld [smem:$0x3FB4]  }
0x2b: {  	s6 =	sld [smem:$0x3FB5]  }
0x2c: {  	s7 =	sld [smem:$0x3FB6]  }
0x2d: {  	s3 =	simm.s32 $0x108;
	s8 =	sld [smem:$0x3FB7]  }
0x2e: {  	s3 =	simm.s32 @!p0 $0x1082;
	s9 =	sld [smem:$0x3FB8]  }
0x2f: {  	lr =	sadd.s32 s0, s3;
	s0 =	sld [smem:$0x3FAF]  }
0x30: {  	s3 =	sld [smem:$0x3FB2]  }
0x31: {  	[smem:$0x3FBB] =	sst s10  }
0x32: {  	s10 =	sld [smem:$0x3FB9];
	_ =	sdelay $0x3  }
0x33: {  	p0 =	seq.s32 s10, $0x1;
	s10 =	sld [smem:$0x3FBB];
	_ =	sdelay $0x3  }
0x34: {  	[smem:$0x3FBB] =	sst s10  }
0x35: {  	s10 =	sld [smem:$0x3FBA];
	_ =	sdelay $0x3  }
0x36: {  	p1 =	seq.s32 s10, $0x1;
	s10 =	sld [smem:$0x3FBB];
	_ =	sdelay $0x3  }
0x37: {  	[smem:$0x3FBB] =	sst s10  }
0x38: {  	s10 =	sld [smem:$0x3FBC]  }
0x39: {  	_ = 	snop;
	(pc) =	sbr.ind lr, $3  }
0x3a: {  	_ = 	snop  }
0x3b: {  	_ = 	snop  }
0x3c: {  	p2 =	seq.s32 s10, $0x1;
	s10 =	sld [smem:$0x3FBB]  }
0x3d: {  	_ =	shalt  }
0x3e: {  	_ =	shalt  }
0x3f: {  	_ =	shalt  }
0x40: {  	_ =	shalt  }
0x41: {  	_ =	shalt  }
0x42: {  	_ =	shalt  }
0x43: {  	_ =	shalt  }
0x44: {  	_ =	shalt  }
0x45: {  	_ =	shalt  }
0x46: {  	_ =	shalt  }
0x47: {  	_ =	shalt  }
0x48: {  	_ =	shalt  }
0x49: {  	_ =	shalt  }
0x4a: {  	_ =	shalt  }
0x4b: {  	_ =	shalt  }
0x4c: {  	_ =	shalt  }
0x4d: {  	_ =	shalt  }
0x4e: {  	_ =	shalt  }
0x4f: {  	_ =	shalt  }
0x50: {  	_ =	shalt  }
0x51: {  	_ =	shalt  }
0x52: {  	_ =	shalt  }
0x53: {  	_ =	shalt  }
0x54: {  	_ =	shalt  }
0x55: {  	_ =	shalt  }
0x56: {  	_ =	shalt  }
0x57: {  	_ =	shalt  }
0x58: {  	_ =	shalt  }
0x59: {  	_ =	shalt  }
0x5a: {  	_ =	shalt  }
0x5b: {  	_ =	shalt  }
0x5c: {  	_ =	shalt  }
0x5d: {  	_ =	shalt  }
0x5e: {  	_ =	shalt  }
0x5f: {  	_ =	shalt  }
0x60: {  	_ =	shalt  }
0x61: {  	_ =	shalt  }
0x62: {  	_ =	shalt  }
0x63: {  	_ =	shalt  }
0x64: {  	_ =	shalt  }
0x65: {  	_ =	shalt  }
0x66: {  	_ =	shalt  }
0x67: {  	_ =	shalt  }
0x68: {  	_ =	shalt  }
0x69: {  	_ =	shalt  }
0x6a: {  	_ =	shalt  }
0x6b: {  	_ =	shalt  }
0x6c: {  	_ =	shalt  }
0x6d: {  	_ =	shalt  }
0x6e: {  	_ =	shalt  }
0x6f: {  	_ =	shalt  }
0x70: {  	_ =	shalt  }
0x71: {  	_ =	shalt  }
0x72: {  	_ =	shalt  }
0x73: {  	_ =	shalt  }
0x74: {  	_ =	shalt  }
0x75: {  	_ =	shalt  }
0x76: {  	_ =	shalt  }
0x77: {  	_ =	shalt  }
0x78: {  	_ =	shalt  }
0x79: {  	_ =	shalt  }
0x7a: {  	_ =	shalt  }
0x7b: {  	_ =	shalt  }
0x7c: {  	_ =	shalt  }
0x7d: {  	_ =	shalt  }
0x7e: {  	_ =	shalt  }
0x7f: {  	_ =	shalt  }
0x80: {  	_ =	shalt  }
0x81: {  	_ =	shalt  }
0x82: {  	_ =	shalt  }
0x83: {  	_ =	shalt  }
0x84: {  	_ =	shalt  }
0x85: {  	_ =	shalt  }
0x86: {  	_ =	shalt  }
0x87: {  	_ =	shalt  }
.Lfunc_end0:
.L_simem_size_0:
called_computation_lowered:
.L_overlay_start_0:
0x88: {  	s2 =	sld [smem:$0x3FD9]  }
0x89: {  	s3 =	sld [smem:$0x3FFE];
	_ =	sdelay $0x1  }
0x8a: {  	s1 =	srdreg.scid  }
0x8b: {  	s0 =	sand.u32 $0x1, s1  }
0x8c: {  	s17 =	sshll.u32 s0, $0xA;
	s2 =	sadd.s32 s3, s2  }
0x8d: {  	s2 =	sadd.s32 s2, s17  }
0x8e: {  	[smem:$0x3FC7] =	sst s2  }
0x8f: {  	_ = 	snop  }
0x90: {  	s2 =	sld [smem:$0x3FC9];
	(tm) =	ssettm $0x1  }
0x91: {  	s18 =	sld [smem:$0x3FFB];
	_ =	sdelay $0x3  }
0x92: {  	_ =	strace s18  }
0x93: {  	s3 =	sld [smem:$0x3FFC];
	_ =	sdelay $0x3  }
0x94: {  	_ =	strace s3  }
0x95: {  	s3 =	sld [smem:$0x3FFD];
	_ =	sdelay $0x3  }
0x96: {  	_ =	strace s3  }
0x97: {  	_ =	strace $0x8FFFFFFF  }
0x98: {  	s19 =	sld [smem:$0x3FDB];
	_ =	sdelay $0x1  }
0x99: {  	s4 =	simm.s32 $_scs_section_size  }
0x9a: {  	s5 =	simm.s32 $_size__tile_overlayer_lowered;
	s6 =	simm.s32 $_tile_overlayer_lowered  }
0x9b: {  	s22 =	simm.s32 $0x1BFF;
	s21 =	sshll.u32 s6, $0x1;
	s3 =	sadd.s32 s4, s19  }
0x9c: {  	s7 =	simm.s32 $0x0;
	s20 =	sshll.u32 s5, $0x1;
	s5 =	sadd.s32 s21, s3  }
0x9d: {  	[timem:s7], [sflag:s22] =	dma.local [hbm:s5], s20  }
0x9e: {  	_ =	swait.ge [sflag:s22], s20  }
0x9f: {  	s4 =	ssub.s32 $0x0, s20;
	[sflag:s22] =	ssyncset.done $0x0  }
0xa0: {  	[sflag:s22] =	ssyncadd.s32 s4;
	_ =	sdelay $0x1  }
0xa1: {  	s23 =	simm.s32 $0x1B8B  }
0xa2: {  	_ =	swait.ge [sflag:s23], $0x1  }
0xa3: {  	[sflag:s23] =	ssyncset.done $0x0  }
0xa4: {  	s25 =	simm.s32 $0x1B8E;
	s24 =	sld [smem:$0x3FFE];
	[sflag:s23] =	ssyncadd.s32 $0xFFFFFFFF  }
0xa5: {  	s26 =	simm.s32 $execute0_lowered;
	[smem:$0x3FD2] =	sst s25  }
0xa6: {  	s5 =	sshll.u32 s26, $0x1;
	_ =	strace $0x80000046;
	[dreg:$0x1] =	wrdreg $0xFFFFFFFF  }
0xa7: {  	s28 =	simm.s32 $_size_execute0_lowered;
	s3 =	sadd.s32 s3, s5;
	[dreg:$0x0] =	wrdreg $0x0  }
0xa8: {  	s5 =	sshll.u32 s28, $0x1;
	[dreg:$0x2] =	wrdreg s3  }
0xa9: {  	[dreg:$0x3] =	wrdreg s5  }
0xaa: {  	[dreg:$0x4] =	wrdreg $0xC0  }
0xab: {  	_ =	task [dreg:s7], $0x5FFFF  }
0xac: {  	[dreg:$0x1] =	wrdreg $0xFFFFFFFF  }
0xad: {  	[dreg:$0x0] =	wrdreg $0x60  }
0xae: {  	[dreg:$0x2] =	wrdreg s2  }
0xaf: {  	[dreg:$0x3] =	wrdreg s24  }
0xb0: {  	[dreg:$0x4] =	wrdreg $0x9  }
0xb1: {  	_ =	task.clear_ibuf [dreg:s7], $0x5FFFF;
	_ =	strace $0x90000046  }
0xb2: {  	s29 =	simm.s32 $0x9;
	_ =	strace $0x80000048  }
0xb3: {  	_ =	swait.ge [sflag:s29], $0x1  }
0xb4: {  	[sflag:s29] =	ssyncadd.s32 $0xFFFFFFFF  }
0xb5: {  	_ =	strace $0x90000048  }
0xb6: {  	_ =	sfence  }
0xb7: {  	s30 =	sld [smem:$0x0];
	_ =	sdelay $0x2  }
0xb8: {  	s31 =	sshll.u32 s1, $0xD;
	s1 =	sshrl.u32 s1, $0x2  }
0xb9: {  	s3 =	sand.u32 $0x4000, s31;
	s1 =	sadd.s32 s1, s30  }
0xba: {  	s0 =	sor.u32 s3, s0;
	s1 =	sshll.u32 s1, $0x11  }
0xbb: {  	s0 =	sor.u32 s1, s0  }
0xbc: {  	s0 =	sadd.s32 $0x8F2B, s0  }
0xbd: {  	[sflag:s0] =	ssyncadd.remote.s32 $0x1  }
0xbe: {  	_ =	sfence.sel $0xFFFF  }
0xbf: {  	[dreg:$0x0] =	wrdreg $0xFFFFFFFF;
	(pc) =	sbr.abs _section_cstart, $3  }
0xc0: {  	[dreg:$0x1] =	wrdreg $0xFFFFFFFF  }
0xc1: {  	_ =	task.clear_ibuf [dreg:s7], $0x2FFFF;
	_ =	strace $0x9FFFFFFF  }
0xc2: {  	(tm) =	ssettm $0x7FFFFFFF  }
0xc3: {  	_ =	shalt  }
tec
execute0_lowered:
.L_overlay_start_1:
0x0: {  	(tag) =	ssettag $0x1  }
0x1: {  	s3 =	rddreg [dreg:$0x0]  }
0x2: {  	s4 =	rddreg [dreg:$0x1]  }
0x3: {  	s0 =	rddreg [dreg:$0x2]  }
0x4: {  	s5 =	srdreg.scid;
	s2 =	simm.s32 $0x0;
	s1 =	stileid.u32  }
0x5: {  	s10 =	simm.s32 $0x4000;
	s11 =	simm.s32 $0x4080;
	s12 =	simm.s32 $0x0  }
0x6: {  	s5 =	sand.u32 $0x1, s5;
	[smem:$0x7FF] =	sst s2;
	s7 =	sshll.u32 s1, $0x4  }
0x7: {  	s8 =	sshll.u32 s1, $0xE;
	s9 =	sshll.u32 s1, $0x3;
	s6 =	sshll.u32 s5, $0x8  }
0x8: {  	_ =	strace $0x80000047;
	s30 =	ssub.s32 $0x2, s5;
	s5 =	sshll.u32 s5, $0xF  }
0x9: {  	s8 =	sand.u32 $0x4000, s8;
	s9 =	sand.u32 $0x70, s9;
	s3 =	sadd.s32 s3, s5  }
0xa: {  	s6 =	sor.u32 s6, s7;
	s31 =	sshrl.u32 s30, $0x1;
	s3 =	sadd.s32 s8, s3  }
0xb: {  	s6 =	sadd.s32 s6, s4;
	s7 =	ssub.s32 s30, s31;
	s8 =	simm.s32 $0x400  }
0xc: {  	s3 =	sadd.s32 s9, s3;
	s4 =	sadd.s32 $0xA00, s6;
	s5 =	sadd.s32 $0xC00, s6  }
0xd: {  	s6 =	smax.u32 s7, $0x1;
	s7 =	simm.s32 $0x80;
	s9 =	simm.s32 $0x1  }
.LBB2_1:
0xe: {  	[tilespmem:s2], [sflag:$0x1] =	stream.strided.gather [hbm4b:s3+s7], $0x4000, s8, s7, $0x38;
	[tilespmem:$0x4100] =	vst v63  }
0xf: {  	_ =	swait.ge [sflag:s9], $0x4000  }
0x10: {  	[sflag:s9] =	ssyncset.done $0x0  }
0x11: {  	s14 =	simm.s32 $0x0;
	[sflag:s9] =	ssyncadd.s32 $0xFFFFC000  }
0x12: {  	v1 =	vld [tilespmem:s14+$0x30]  }
0x13: {  	v11 =	vld [tilespmem:s14+$0x0]  }
0x14: {  	v0 =	vimm.f32 $-Inf;
	v3 =	vimm.f32 $-Inf;
	v2 =	vld [tilespmem:s14+$0x10]  }
0x15: {  	v5 =	vimm.f32 $-Inf;
	v6 =	vimm.f32 $-Inf;
	v4 =	vimm.f32 $-Inf;
	v9 =	vld [tilespmem:s14+$0x20]  }
0x16: {  	s13 =	simm.s32 $0x100;
	v7 =	vimm.f32 $-Inf;
	v8 =	vimm.f32 $-Inf;
	v10 =	vimm.f32 $-Inf  }
.LBB2_2:
0x17: {  	s14 =	sshra.s32 s13, $0x2;
	p0 =	sne.s32 s13, $0xFF00;
	s13 =	sadd.s32 $0x100, s13;
	v12 =	vmin.f32 v0, v1;
	v13 =	vmov v1  }
.Ltmp0:
0x18: {  	v1 =	vld [tilespmem:s14+$0x30];
	v14 =	vmin.f32 v3, v11;
	v3 =	vmax.f32 v3, v11;
	v5 =	vmax.f32 v5, v12;
	(pc) =	sbr.rel @p0 .LBB2_2-.Ltmp0, $4  }
0x19: {  	v11 =	vld [tilespmem:s14+$0x0];
	v6 =	vmax.f32 v6, v14;
	v12 =	vmin.f32 v4, v2;
	v4 =	vmax.f32 v4, v2  }
0x1a: {  	v2 =	vld [tilespmem:s14+$0x10];
	v7 =	vmax.f32 v7, v12;
	v12 =	vmin.f32 v8, v9;
	v8 =	vmax.f32 v8, v9  }
0x1b: {  	v9 =	vld [tilespmem:s14+$0x20];
	v10 =	vmax.f32 v10, v12  }
0x1c: {  	v0 =	vmax.f32 v0, v13  }
0x1d: {  	v12 =	vmin.f32 v0, v1;
	v61 =	vmax.f32 v0, v1  }
0x1e: {  	v13 =	vmin.f32 v3, v11;
	v56 =	vmax.f32 v3, v11;
	v5 =	vmax.f32 v5, v12  }
0x1f: {  	v6 =	vmax.f32 v6, v13;
	v57 =	vmin.f32 v4, v2;
	v58 =	vmax.f32 v4, v2  }
0x20: {  	v59 =	vmin.f32 v8, v9;
	v7 =	vmax.f32 v7, v57;
	v60 =	vmax.f32 v8, v9  }
0x21: {  	v63 =	vmin.f32 v58, v61;
	v0 =	vmax.f32 v58, v61;
	v4 =	vmax.f32 v10, v59  }
0x22: {  	v62 =	vmin.f32 v56, v60;
	v5 =	vmax.f32 v7, v5;
	v4 =	vmax.f32 v6, v4  }
0x23: {  	v3 =	vmax.f32 v56, v60;
	v1 =	vmax.f32 v62, v4;
	v4 =	vmax.f32 v63, v5  }
0x24: {  	v2 =	vmin.f32 v3, v0;
	v0 =	vmax.f32 v3, v0;
	v1 =	vmax.f32 v1, v4  }
0x25: {  	[tilespmem:$0x4000] =	vst v0;
	v1 =	vmax.f32 v2, v1  }
0x26: {  	[tilespmem:$0x4080] =	vst v1  }
0x27: {  	[hbm4b:s4+s2] =	stream.linear.scatter [tilespmem:s10], [sflag:$0x1], $0x80, $0x38;
	[tilespmem:$0x4100] =	vst v63  }
0x28: {  	s12 =	sadd.s32 $0x1, s12;
	_ =	swait.ge [sflag:s9], $0x80  }
0x29: {  	p0 =	sne.s32 s12, s6;
	[sflag:s9] =	ssyncset.done $0x0  }
.Ltmp1:
0x2a: {  	[sflag:s9] =	ssyncadd.s32 $0xFFFFFF80;
	(pc) =	sbr.rel @p0 .LBB2_1-.Ltmp1, $4  }
0x2b: {  	[hbm4b:s5+s2] =	stream.linear.scatter [tilespmem:s11], [sflag:$0x1], $0x80, $0x38;
	[tilespmem:$0x4100] =	vst v63  }
0x2c: {  	_ =	swait.ge [sflag:s9], $0x80  }
0x2d: {  	[sflag:s9] =	ssyncset.done $0x0  }
0x2e: {  	[sflag:s9] =	ssyncadd.s32 $0xFFFFFF80  }
0x2f: {  	_ =	sfence.sel $0x180000  }
0x30: {  	[bflag:$0x0] =	sbarrier.arrive $0xFFFF  }
0x31: {  	p0 =	sne.s32 s1, $0x0;
	_ =	strace $0x90000047  }
0x32: {  	s0 =	sadd.s32 @!p0 $0x100000, s0;
	[bflag:$0x2] =	sbarrier.arrive $0xFFFF  }
0x33: {  	[sflag:s0] =	ssyncadd.tile.s32 @!p0 $0x1;
	_ =	shalt  }
.Lfunc_end2:
_tile_overlayer_lowered:
.L_overlay_start_2:
0x34: {  	(tag) =	ssettag $0x2  }
0x35: {  	s0 =	rddreg [dreg:$0x0];
	s2 =	stileid.u32  }
0x36: {  	s1 =	rddreg [dreg:$0x1];
	p0 =	sne.s32 s2, $0x0  }
0x37: {  	s3 =	rddreg [dreg:$0x2];
	[bflag:$0x3] =	sbarrier.arrive $0xFFFF;
	s2 =	simm.s32 @!p0 $0x1C01  }
0x38: {  	[timem:s3], [sflag:s2] =	dma.local @!p0 [hbm:s0], s1  }
0x39: {  	s0 =	simm.s32 @!p0 $0x1  }
0x3a: {  	_ =	swait.ge @!p0 [sflag:s0], s1  }
0x3b: {  	s1 =	ssub.s32 @!p0 $0x0, s1;
	[sflag:s0] =	ssyncset.done @!p0 $0x0  }
0x3c: {  	[sflag:s0] =	ssyncadd.s32 @!p0 s1  }
0x3d: {  	[bflag:$0x3] =	sbarrier.arrive $0xFFFF  }
0x3e: {  	_ =	shalt  }

</sc_bundles>
